<compile_context>
chip_gen: v7x
topology: tpu7x:2x2x1
jax: 0.10.2.dev20260603
libtpu: 0.0.44.dev20260713+nightly
codegen_flags: <defaults>
</compile_context>

<pallas_src>
import functools

import jax
import jax.numpy as jnp
import numpy as np
from jax import lax
from jax.experimental import pallas as pl
from jax.experimental.pallas import tpu as pltpu
from jax.experimental.pallas import tpu_sc as plsc

N = 10000
E = 160000
D = 16
P = 8
NC = 2
NS = 16
NW = NC * NS
BPW = E // NW
BE = 8000
BP = BE // P
EP = E // P


def _sc_gather(table, idx):
    mesh = plsc.VectorSubcoreMesh(core_axis_name="c", subcore_axis_name="s")

    @functools.partial(
        pl.kernel,
        mesh=mesh,
        out_type=jax.ShapeDtypeStruct((E, D), jnp.float32),
        compiler_params=pltpu.CompilerParams(use_tc_tiling_on_sc=False),
        scratch_types=[
            pltpu.VMEM((BPW,), jnp.int32),
            pltpu.VMEM((BPW, D), jnp.float32),
            pltpu.SemaphoreType.DMA,
        ],
    )
    def gather_k(table_hbm, idx_hbm, out_hbm, idx_v, rows_v, sem):
        wid = lax.axis_index("s") * NC + lax.axis_index("c")
        base = wid * BPW
        pltpu.sync_copy(idx_hbm.at[pl.ds(base, BPW)], idx_v)
        pltpu.async_copy(table_hbm.at[idx_v], rows_v, sem).wait()
        pltpu.sync_copy(rows_v, out_hbm.at[pl.ds(base, BPW)])

    return gather_k(table, idx)


_TEX = np.tile(np.eye(D, dtype=np.float32), (1, D))
_SEL = np.kron(np.eye(D, dtype=np.float32), np.ones((D, 1), np.float32))


def _dot(a, b):
    return jnp.dot(a, b, preferred_element_type=jnp.float32)


def _ln_relu(x, g, be, mbd):
    mu = _dot(x, mbd)
    xc = x - mu
    var = _dot(xc * xc, mbd)
    return jnp.maximum(xc * lax.rsqrt(var + 1e-5) * g + be, 0.0)


def _tc_body(ewp, erp, bsp, hsp, w1bd, w1bspr, b1t, g1t, be1t, w2bd, b2t,
             g2t, be2t, w3bd, b3t, mbd, spr, tex8, sel8, out):
    x = _dot(ewp[...], w1bd[...]) + _dot(erp[...], w1bspr[...]) + b1t[...]
    x = _ln_relu(x, g1t[...], be1t[...], mbd[...])
    x = _dot(x, w2bd[...]) + b2t[...]
    x = _ln_relu(x, g2t[...], be2t[...], mbd[...])
    bf = jnp.bfloat16
    r = (_dot(x, w3bd[...]) + b3t[...]).astype(bf)

    bh = hsp[...] * _dot(bsp[...], spr[...])
    hbig = _dot(bh, tex8[...]).astype(bf)
    out[...] = _dot(r * hbig, sel8[...])


def _tc_conv(ewp, erp, bsp, hsp, w1a, w1b, b1, g1, be1, w2, b2, g2, be2, w3,
             b3):
    f32 = jnp.float32
    eye8 = jnp.eye(P, dtype=f32)
    kr = lambda w: jnp.kron(eye8, w)
    tile8 = lambda v: jnp.tile(v.reshape(1, -1), (1, P))
    mbd = kr(jnp.full((32, 32), 1.0 / 32.0, f32))
    args = (
        ewp, erp, bsp, hsp,
        kr(w1a),
        kr(w1b.reshape(1, 32)),
        tile8(b1), tile8(g1), tile8(be1),
        kr(w2),
        tile8(b2), tile8(g2), tile8(be2),
        kr(w3),
        tile8(b3),
        mbd,
        kr(jnp.ones((1, D), f32)),
        kr(jnp.asarray(_TEX)),
        kr(jnp.asarray(_SEL)).astype(jnp.bfloat16),
    )
    edge_spec = lambda w: pl.BlockSpec((BP, w), lambda i: (i, 0))
    full = lambda a: pl.BlockSpec(a.shape, lambda i: (0,) * a.ndim)
    in_specs = [edge_spec(128), edge_spec(P), edge_spec(P), edge_spec(128)]
    in_specs += [full(a) for a in args[4:]]
    return pl.pallas_call(
        _tc_body,
        grid=(EP // BP,),
        in_specs=in_specs,
        out_specs=pl.BlockSpec((BP, 128), lambda i: (i, 0)),
        out_shape=jax.ShapeDtypeStruct((EP, 128), f32),
    )(*args)


def kernel(h_0, edge_index, edge_r, edge_w, basis_00, W1, b1, g1, be1, W2,
           b2, g2, be2, W3, b3):
    table = h_0.reshape(N, D)
    idx = edge_index[0].astype(jnp.int32)
    h_src = _sc_gather(table, idx)

    out_p = _tc_conv(
        edge_w.reshape(EP, 128), edge_r.reshape(EP, P),
        basis_00.reshape(EP, P), h_src.reshape(EP, 128),
        W1[:D], W1[D:], b1, g1, be1, W2, b2, g2, be2, W3, b3)
    return out_p.reshape(E, D, 1)

# --- scband reference (transcript-rebuilt; emitter-appended) ---
"""Pipeline reference for scband-conv-se3-63376537420064 (READ-ONLY COPY).

The authoritative reference and input builder live on the scoring server;
editing this copy changes nothing except your own understanding.
"""

import jax, jax.numpy as jnp
import numpy as np

N = 10000
E = 160000
CH_IN = 16
CH_OUT = 16
EDGE_DIM = 16
NUM_FREQ = 1  # min(t_in, t_out) * 2 + 1 with t_in = t_out = 0


def _layer_norm(x, g, b, eps=1e-5):
    mu = jnp.mean(x, axis=-1, keepdims=True)
    var = jnp.var(x, axis=-1, keepdims=True)
    return (x - mu) / jnp.sqrt(var + eps) * g + b


def setup_inputs(seed: int = 0) -> dict:
    key = jax.random.key(seed)
    ks = jax.random.split(key, 10)
    h_0 = jax.random.normal(ks[0], (N, CH_IN, 1), dtype=jnp.float32)
    edge_index = jax.random.randint(ks[1], (2, E), 0, N)
    edge_r = jax.random.uniform(ks[2], (E, 1), dtype=jnp.float32)
    edge_w = jax.random.normal(ks[3], (E, EDGE_DIM), dtype=jnp.float32)
    basis_00 = jax.random.normal(ks[4], (E, 1, 1, 1, 1, NUM_FREQ), dtype=jnp.float32)
    # RadialFunc parameters: Linear(17->32), LN(32), ReLU, Linear(32->32), LN(32), ReLU, Linear(32->256)
    W1 = jax.random.normal(ks[5], (EDGE_DIM + 1, 32), dtype=jnp.float32) * (1.0 / np.sqrt(EDGE_DIM + 1))
    b1 = jnp.zeros((32,), jnp.float32)
    g1 = jnp.ones((32,), jnp.float32)
    be1 = jnp.zeros((32,), jnp.float32)
    W2 = jax.random.normal(ks[6], (32, 32), dtype=jnp.float32) * (1.0 / np.sqrt(32))
    b2 = jnp.zeros((32,), jnp.float32)
    g2 = jnp.ones((32,), jnp.float32)
    be2 = jnp.zeros((32,), jnp.float32)
    W3 = jax.random.normal(ks[7], (32, NUM_FREQ * CH_IN * CH_OUT), dtype=jnp.float32) * (1.0 / np.sqrt(32))
    b3 = jnp.zeros((NUM_FREQ * CH_IN * CH_OUT,), jnp.float32)
    return {"h_0": h_0, "edge_index": edge_index, "edge_r": edge_r, "edge_w": edge_w,
            "basis_00": basis_00, "W1": W1, "b1": b1, "g1": g1, "be1": be1,
            "W2": W2, "b2": b2, "g2": g2, "be2": be2, "W3": W3, "b3": b3}


def reference(h_0, edge_index, edge_r, edge_w, basis_00, W1, b1, g1, be1, W2, b2, g2, be2, W3, b3):
    # f = cat([w, r], -1) as in ConvSE3.forward when 'w' in edata
    f = jnp.concatenate([edge_w, edge_r], axis=-1)
    # RadialFunc MLP (phi^{lk})
    x = f @ W1 + b1
    x = jax.nn.relu(_layer_norm(x, g1, be1))
    x = x @ W2 + b2
    x = jax.nn.relu(_layer_norm(x, g2, be2))
    R = x @ W3 + b3
    # SingleConv: kernel = sum(R.view(-1,ch_out,1,ch_in,1,num_freq) * basis['0,0'], -1)
    Rv = R.reshape(-1, CH_OUT, 1, CH_IN, 1, NUM_FREQ)
    kernel = jnp.sum(Rv * basis_00, axis=-1)
    kernel = kernel.reshape(kernel.shape[0], CH_OUT * 1, CH_IN * 1)  # [E, fwd_out, ch_in*d_in]
    # message_passing_edge for t_out=0: src gather + per-edge matmul
    src = jnp.take(h_0, edge_index[0], axis=0).reshape(-1, CH_IN * 1, 1)
    msg = jnp.matmul(kernel, src)
    out_0 = msg.reshape(msg.shape[0], -1, 1)  # d_out = 2*0+1 = 1
    return out_0

if __name__ == "__main__":
    import jax
    _d = setup_inputs()
    print(jax.jit(kernel)(*tuple(_d.values())))

</pallas_src>

<mosaic_0001>
#map = affine_map<(d0, d1) -> (0, 0)>
#map1 = affine_map<(d0, d1) -> (0)>
module attributes {stable_mosaic.version = 14 : i64} {
  func.func @gather_k(%arg0: i32, %arg1: i32, %arg2: memref<10000x16xf32, #tpu.memory_space<hbm>>, %arg3: memref<160000xi32, #tpu.memory_space<hbm>>, %arg4: memref<160000x16xf32, #tpu.memory_space<hbm>>, %arg5: memref<5000xi32, #tpu.memory_space<vmem>>, %arg6: memref<5000x16xf32, #tpu.memory_space<vmem>>, %arg7: memref<!tpu.dma_semaphore, #tpu.memory_space<semaphore_mem>>) attributes {dimension_semantics = [#tpu.dimension_semantics<core_parallel>, #tpu.dimension_semantics<subcore_parallel>], iteration_bounds = array<i64: 2, 16>, scalar_prefetch = 0 : i64, scratch_operands = 3 : i64, tpu.core_type = #tpu.core_type<sc_vector_subcore>, window_params = [{transform_indices = #map}, {transform_indices = #map1}, {transform_indices = #map}]} {
    %mul3A = arith.constant 2 : i32
    %mul3A_0 = arith.muli %arg1, %mul3A : i32
    %add3A = arith.addi %mul3A_0, %arg0 : i32
    %mul3A_1 = arith.constant 5000 : i32
    %mul3A_2 = arith.muli %add3A, %mul3A_1 : i32
    "tpu.region"() ({
      %run_scoped3A = tpu.sem_alloc : memref<!tpu.dma_semaphore, #tpu.memory_space<semaphore_mem>>
      %dma_start3A_7 = tpu.memref_slice %arg3[%mul3A_2] : memref<160000xi32, #tpu.memory_space<hbm>> -> memref<5000xi32, #tpu.memory_space<hbm>>
      %dma_start3A_8 = tpu.memref_slice %arg3[%mul3A_2] : memref<160000xi32, #tpu.memory_space<hbm>> -> memref<5000xi32, #tpu.memory_space<hbm>>
      tpu.enqueue_dma source(%dma_start3A_8 : memref<5000xi32, #tpu.memory_space<hbm>>) target(%arg5 : memref<5000xi32, #tpu.memory_space<vmem>>) target_semaphore(%run_scoped3A : memref<!tpu.dma_semaphore, #tpu.memory_space<semaphore_mem>>)
      %dma_wait3A_9 = tpu.memref_slice %arg3[%mul3A_2] : memref<160000xi32, #tpu.memory_space<hbm>> -> memref<5000xi32, #tpu.memory_space<hbm>>
      %dma_wait3A_10 = tpu.memref_slice %arg3[%mul3A_2] : memref<160000xi32, #tpu.memory_space<hbm>> -> memref<5000xi32, #tpu.memory_space<hbm>>
      tpu.wait_dma2 semaphore(%run_scoped3A : memref<!tpu.dma_semaphore, #tpu.memory_space<semaphore_mem>>) src(%dma_wait3A_10 : memref<5000xi32, #tpu.memory_space<hbm>>) dst(%arg5 : memref<5000xi32, #tpu.memory_space<vmem>>)
      tpu.yield
    }) : () -> ()
    %dma_start3A = arith.constant 0 : i32
    %dma_start3A_3 = arith.constant 0 : i32
    %dma_start3A_4 = tpu.memref_slice %arg2[%dma_start3A, %dma_start3A_3] : memref<10000x16xf32, #tpu.memory_space<hbm>> -> memref<10000x16xf32, #tpu.memory_space<hbm>>
    tpu.enqueue_indirect_dma source(%dma_start3A_4 : memref<10000x16xf32, #tpu.memory_space<hbm>>) target(%arg6 : memref<5000x16xf32, #tpu.memory_space<vmem>>) offsets(%arg5 : memref<5000xi32, #tpu.memory_space<vmem>>) semaphore(%arg7 : memref<!tpu.dma_semaphore, #tpu.memory_space<semaphore_mem>>)
    %dma_wait3A = arith.constant 0 : i32
    %dma_wait3A_5 = arith.constant 0 : i32
    %dma_wait3A_6 = tpu.memref_slice %arg2[%dma_wait3A, %dma_wait3A_5] : memref<10000x16xf32, #tpu.memory_space<hbm>> -> memref<10000x16xf32, #tpu.memory_space<hbm>>
    tpu.wait_indirect_dma semaphore(%arg7 : memref<!tpu.dma_semaphore, #tpu.memory_space<semaphore_mem>>) src(%dma_wait3A_6 : memref<10000x16xf32, #tpu.memory_space<hbm>>) dst(%arg6 : memref<5000x16xf32, #tpu.memory_space<vmem>>)
    "tpu.region"() ({
      %run_scoped3A = tpu.sem_alloc : memref<!tpu.dma_semaphore, #tpu.memory_space<semaphore_mem>>
      %dma_start3A_7 = arith.constant 0 : i32
      %dma_start3A_8 = tpu.memref_slice %arg4[%mul3A_2, %dma_start3A_7] : memref<160000x16xf32, #tpu.memory_space<hbm>> -> memref<5000x16xf32, #tpu.memory_space<hbm>>
      %dma_start3A_9 = arith.constant 0 : i32
      %dma_start3A_10 = tpu.memref_slice %arg4[%mul3A_2, %dma_start3A_9] : memref<160000x16xf32, #tpu.memory_space<hbm>> -> memref<5000x16xf32, #tpu.memory_space<hbm>>
      tpu.enqueue_dma source(%arg6 : memref<5000x16xf32, #tpu.memory_space<vmem>>) target(%dma_start3A_10 : memref<5000x16xf32, #tpu.memory_space<hbm>>) target_semaphore(%run_scoped3A : memref<!tpu.dma_semaphore, #tpu.memory_space<semaphore_mem>>)
      %dma_wait3A_11 = arith.constant 0 : i32
      %dma_wait3A_12 = tpu.memref_slice %arg4[%mul3A_2, %dma_wait3A_11] : memref<160000x16xf32, #tpu.memory_space<hbm>> -> memref<5000x16xf32, #tpu.memory_space<hbm>>
      %dma_wait3A_13 = arith.constant 0 : i32
      %dma_wait3A_14 = tpu.memref_slice %arg4[%mul3A_2, %dma_wait3A_13] : memref<160000x16xf32, #tpu.memory_space<hbm>> -> memref<5000x16xf32, #tpu.memory_space<hbm>>
      tpu.wait_dma2 semaphore(%run_scoped3A : memref<!tpu.dma_semaphore, #tpu.memory_space<semaphore_mem>>) src(%arg6 : memref<5000x16xf32, #tpu.memory_space<vmem>>) dst(%dma_wait3A_14 : memref<5000x16xf32, #tpu.memory_space<hbm>>)
      tpu.yield
    }) : () -> ()
    return
  }
}

module attributes {stable_mosaic.version = 14 : i64} {
  func.func @_tc_body(%arg0: i32, %arg1: memref<1000x128xf32, #tpu.memory_space<vmem>>, %arg2: memref<1000x8xf32, #tpu.memory_space<vmem>>, %arg3: memref<1000x8xf32, #tpu.memory_space<vmem>>, %arg4: memref<1000x128xf32, #tpu.memory_space<vmem>>, %arg5: memref<128x256xf32, #tpu.memory_space<vmem>>, %arg6: memref<8x256xf32, #tpu.memory_space<vmem>>, %arg7: memref<1x256xf32, #tpu.memory_space<vmem>>, %arg8: memref<1x256xf32, #tpu.memory_space<vmem>>, %arg9: memref<1x256xf32, #tpu.memory_space<vmem>>, %arg10: memref<256x256xf32, #tpu.memory_space<vmem>>, %arg11: memref<1x256xf32, #tpu.memory_space<vmem>>, %arg12: memref<1x256xf32, #tpu.memory_space<vmem>>, %arg13: memref<1x256xf32, #tpu.memory_space<vmem>>, %arg14: memref<256x2048xf32, #tpu.memory_space<vmem>>, %arg15: memref<1x2048xf32, #tpu.memory_space<vmem>>, %arg16: memref<256x256xf32, #tpu.memory_space<vmem>>, %arg17: memref<8x128xf32, #tpu.memory_space<vmem>>, %arg18: memref<128x2048xf32, #tpu.memory_space<vmem>>, %arg19: memref<2048x128xbf16, #tpu.memory_space<vmem>>, %arg20: memref<1000x128xf32, #tpu.memory_space<vmem>>) attributes {dimension_semantics = [#tpu.dimension_semantics<arbitrary>], iteration_bounds = array<i64: 20>, scalar_prefetch = 0 : i64, scratch_operands = 0 : i64, tpu.core_type = #tpu.core_type<tc>, window_params = [{transform_indices = @transform_0, window_bounds = array<i64: 1000, 128>}, {transform_indices = @transform_1, window_bounds = array<i64: 1000, 8>}, {transform_indices = @transform_2, window_bounds = array<i64: 1000, 8>}, {transform_indices = @transform_3, window_bounds = array<i64: 1000, 128>}, {pipeline_mode = #tpu.pipeline_mode<synchronous>, transform_indices = @transform_4, window_bounds = array<i64: 128, 256>}, {pipeline_mode = #tpu.pipeline_mode<synchronous>, transform_indices = @transform_5, window_bounds = array<i64: 8, 256>}, {pipeline_mode = #tpu.pipeline_mode<synchronous>, transform_indices = @transform_6, window_bounds = array<i64: 1, 256>}, {pipeline_mode = #tpu.pipeline_mode<synchronous>, transform_indices = @transform_7, window_bounds = array<i64: 1, 256>}, {pipeline_mode = #tpu.pipeline_mode<synchronous>, transform_indices = @transform_8, window_bounds = array<i64: 1, 256>}, {pipeline_mode = #tpu.pipeline_mode<synchronous>, transform_indices = @transform_9, window_bounds = array<i64: 256, 256>}, {pipeline_mode = #tpu.pipeline_mode<synchronous>, transform_indices = @transform_10, window_bounds = array<i64: 1, 256>}, {pipeline_mode = #tpu.pipeline_mode<synchronous>, transform_indices = @transform_11, window_bounds = array<i64: 1, 256>}, {pipeline_mode = #tpu.pipeline_mode<synchronous>, transform_indices = @transform_12, window_bounds = array<i64: 1, 256>}, {pipeline_mode = #tpu.pipeline_mode<synchronous>, transform_indices = @transform_13, window_bounds = array<i64: 256, 2048>}, {pipeline_mode = #tpu.pipeline_mode<synchronous>, transform_indices = @transform_14, window_bounds = array<i64: 1, 2048>}, {pipeline_mode = #tpu.pipeline_mode<synchronous>, transform_indices = @transform_15, window_bounds = array<i64: 256, 256>}, {pipeline_mode = #tpu.pipeline_mode<synchronous>, transform_indices = @transform_16, window_bounds = array<i64: 8, 128>}, {pipeline_mode = #tpu.pipeline_mode<synchronous>, transform_indices = @transform_17, window_bounds = array<i64: 128, 2048>}, {pipeline_mode = #tpu.pipeline_mode<synchronous>, transform_indices = @transform_18, window_bounds = array<i64: 2048, 128>}, {transform_indices = @transform_19, window_bounds = array<i64: 1000, 128>}]} {
    %get3A = arith.constant 0 : index
    %get3A_0 = arith.constant 0 : index
    %get3A_1 = vector.load %arg1[%get3A, %get3A_0] : memref<1000x128xf32, #tpu.memory_space<vmem>>, vector<1000x128xf32>
    %get3A_2 = arith.constant 0 : index
    %get3A_3 = arith.constant 0 : index
    %get3A_4 = vector.load %arg5[%get3A_2, %get3A_3] : memref<128x256xf32, #tpu.memory_space<vmem>>, vector<128x256xf32>
    %dot_general3A = arith.constant dense<0.000000e+00> : vector<1000x256xf32>
    %dot_general3A_5 = tpu.matmul %get3A_1, %get3A_4, %dot_general3A {dimension_numbers = #tpu.dot_dimension_numbers<[1], [0], [0], [1], [0, 0, 1, 1], [], []>, transpose_lhs_hint = false} : vector<1000x128xf32>, vector<128x256xf32>, vector<1000x256xf32> -> vector<1000x256xf32>
    %get3A_6 = arith.constant 0 : index
    %get3A_7 = arith.constant 0 : index
    %get3A_8 = vector.load %arg2[%get3A_6, %get3A_7] : memref<1000x8xf32, #tpu.memory_space<vmem>>, vector<1000x8xf32>
    %get3A_9 = arith.constant 0 : index
    %get3A_10 = arith.constant 0 : index
    %get3A_11 = vector.load %arg6[%get3A_9, %get3A_10] : memref<8x256xf32, #tpu.memory_space<vmem>>, vector<8x256xf32>
    %dot_general3A_12 = arith.constant dense<0.000000e+00> : vector<1000x256xf32>
    %dot_general3A_13 = tpu.matmul %get3A_8, %get3A_11, %dot_general3A_12 {dimension_numbers = #tpu.dot_dimension_numbers<[1], [0], [0], [1], [0, 0, 1, 1], [], []>, transpose_lhs_hint = false} : vector<1000x8xf32>, vector<8x256xf32>, vector<1000x256xf32> -> vector<1000x256xf32>
    %add3A = arith.addf %dot_general3A_5, %dot_general3A_13 : vector<1000x256xf32>
    %get3A_14 = arith.constant 0 : index
    %get3A_15 = arith.constant 0 : index
    %get3A_16 = vector.load %arg7[%get3A_14, %get3A_15] : memref<1x256xf32, #tpu.memory_space<vmem>>, vector<1x256xf32>
    %add3A_17 = vector.broadcast %get3A_16 : vector<1x256xf32> to vector<1000x256xf32>
    %add3A_18 = arith.addf %add3A, %add3A_17 : vector<1000x256xf32>
    %get3A_19 = arith.constant 0 : index
    %get3A_20 = arith.constant 0 : index
    %get3A_21 = vector.load %arg8[%get3A_19, %get3A_20] : memref<1x256xf32, #tpu.memory_space<vmem>>, vector<1x256xf32>
    %get3A_22 = arith.constant 0 : index
    %get3A_23 = arith.constant 0 : index
    %get3A_24 = vector.load %arg9[%get3A_22, %get3A_23] : memref<1x256xf32, #tpu.memory_space<vmem>>, vector<1x256xf32>
    %get3A_25 = arith.constant 0 : index
    %get3A_26 = arith.constant 0 : index
    %get3A_27 = vector.load %arg16[%get3A_25, %get3A_26] : memref<256x256xf32, #tpu.memory_space<vmem>>, vector<256x256xf32>
    %dot_general3A_28 = arith.constant dense<0.000000e+00> : vector<1000x256xf32>
    %dot_general3A_29 = tpu.matmul %add3A_18, %get3A_27, %dot_general3A_28 {dimension_numbers = #tpu.dot_dimension_numbers<[1], [0], [0], [1], [0, 0, 1, 1], [], []>, transpose_lhs_hint = false} : vector<1000x256xf32>, vector<256x256xf32>, vector<1000x256xf32> -> vector<1000x256xf32>
    %sub3A = arith.subf %add3A_18, %dot_general3A_29 : vector<1000x256xf32>
    %mul3A = arith.mulf %sub3A, %sub3A : vector<1000x256xf32>
    %dot_general3A_30 = arith.constant dense<0.000000e+00> : vector<1000x256xf32>
    %dot_general3A_31 = tpu.matmul %mul3A, %get3A_27, %dot_general3A_30 {dimension_numbers = #tpu.dot_dimension_numbers<[1], [0], [0], [1], [0, 0, 1, 1], [], []>, transpose_lhs_hint = false} : vector<1000x256xf32>, vector<256x256xf32>, vector<1000x256xf32> -> vector<1000x256xf32>
    %add3A_32 = arith.constant 9.99999974E-6 : f32
    %add3A_33 = vector.broadcast %add3A_32 : f32 to vector<1000x256xf32>
    %add3A_34 = arith.addf %dot_general3A_31, %add3A_33 : vector<1000x256xf32>
    %rsqrt3A = math.rsqrt %add3A_34 : vector<1000x256xf32>
    %mul3A_35 = arith.mulf %sub3A, %rsqrt3A : vector<1000x256xf32>
    %mul3A_36 = vector.broadcast %get3A_21 : vector<1x256xf32> to vector<1000x256xf32>
    %mul3A_37 = arith.mulf %mul3A_35, %mul3A_36 : vector<1000x256xf32>
    %add3A_38 = vector.broadcast %get3A_24 : vector<1x256xf32> to vector<1000x256xf32>
    %add3A_39 = arith.addf %mul3A_37, %add3A_38 : vector<1000x256xf32>
    %max3A = arith.constant 0.000000e+00 : f32
    %max3A_40 = vector.broadcast %max3A : f32 to vector<1000x256xf32>
    %max3A_41 = arith.maximumf %add3A_39, %max3A_40 : vector<1000x256xf32>
    %get3A_42 = arith.constant 0 : index
    %get3A_43 = arith.constant 0 : index
    %get3A_44 = vector.load %arg10[%get3A_42, %get3A_43] : memref<256x256xf32, #tpu.memory_space<vmem>>, vector<256x256xf32>
    %dot_general3A_45 = arith.constant dense<0.000000e+00> : vector<1000x256xf32>
    %dot_general3A_46 = tpu.matmul %max3A_41, %get3A_44, %dot_general3A_45 {dimension_numbers = #tpu.dot_dimension_numbers<[1], [0], [0], [1], [0, 0, 1, 1], [], []>, transpose_lhs_hint = false} : vector<1000x256xf32>, vector<256x256xf32>, vector<1000x256xf32> -> vector<1000x256xf32>
    %get3A_47 = arith.constant 0 : index
    %get3A_48 = arith.constant 0 : index
    %get3A_49 = vector.load %arg11[%get3A_47, %get3A_48] : memref<1x256xf32, #tpu.memory_space<vmem>>, vector<1x256xf32>
    %add3A_50 = vector.broadcast %get3A_49 : vector<1x256xf32> to vector<1000x256xf32>
    %add3A_51 = arith.addf %dot_general3A_46, %add3A_50 : vector<1000x256xf32>
    %get3A_52 = arith.constant 0 : index
    %get3A_53 = arith.constant 0 : index
    %get3A_54 = vector.load %arg12[%get3A_52, %get3A_53] : memref<1x256xf32, #tpu.memory_space<vmem>>, vector<1x256xf32>
    %get3A_55 = arith.constant 0 : index
    %get3A_56 = arith.constant 0 : index
    %get3A_57 = vector.load %arg13[%get3A_55, %get3A_56] : memref<1x256xf32, #tpu.memory_space<vmem>>, vector<1x256xf32>
    %get3A_58 = arith.constant 0 : index
    %get3A_59 = arith.constant 0 : index
    %get3A_60 = vector.load %arg16[%get3A_58, %get3A_59] : memref<256x256xf32, #tpu.memory_space<vmem>>, vector<256x256xf32>
    %dot_general3A_61 = arith.constant dense<0.000000e+00> : vector<1000x256xf32>
    %dot_general3A_62 = tpu.matmul %add3A_51, %get3A_60, %dot_general3A_61 {dimension_numbers = #tpu.dot_dimension_numbers<[1], [0], [0], [1], [0, 0, 1, 1], [], []>, transpose_lhs_hint = false} : vector<1000x256xf32>, vector<256x256xf32>, vector<1000x256xf32> -> vector<1000x256xf32>
    %sub3A_63 = arith.subf %add3A_51, %dot_general3A_62 : vector<1000x256xf32>
    %mul3A_64 = arith.mulf %sub3A_63, %sub3A_63 : vector<1000x256xf32>
    %dot_general3A_65 = arith.constant dense<0.000000e+00> : vector<1000x256xf32>
    %dot_general3A_66 = tpu.matmul %mul3A_64, %get3A_60, %dot_general3A_65 {dimension_numbers = #tpu.dot_dimension_numbers<[1], [0], [0], [1], [0, 0, 1, 1], [], []>, transpose_lhs_hint = false} : vector<1000x256xf32>, vector<256x256xf32>, vector<1000x256xf32> -> vector<1000x256xf32>
    %add3A_67 = arith.constant 9.99999974E-6 : f32
    %add3A_68 = vector.broadcast %add3A_67 : f32 to vector<1000x256xf32>
    %add3A_69 = arith.addf %dot_general3A_66, %add3A_68 : vector<1000x256xf32>
    %rsqrt3A_70 = math.rsqrt %add3A_69 : vector<1000x256xf32>
    %mul3A_71 = arith.mulf %sub3A_63, %rsqrt3A_70 : vector<1000x256xf32>
    %mul3A_72 = vector.broadcast %get3A_54 : vector<1x256xf32> to vector<1000x256xf32>
    %mul3A_73 = arith.mulf %mul3A_71, %mul3A_72 : vector<1000x256xf32>
    %add3A_74 = vector.broadcast %get3A_57 : vector<1x256xf32> to vector<1000x256xf32>
    %add3A_75 = arith.addf %mul3A_73, %add3A_74 : vector<1000x256xf32>
    %max3A_76 = arith.constant 0.000000e+00 : f32
    %max3A_77 = vector.broadcast %max3A_76 : f32 to vector<1000x256xf32>
    %max3A_78 = arith.maximumf %add3A_75, %max3A_77 : vector<1000x256xf32>
    %get3A_79 = arith.constant 0 : index
    %get3A_80 = arith.constant 0 : index
    %get3A_81 = vector.load %arg14[%get3A_79, %get3A_80] : memref<256x2048xf32, #tpu.memory_space<vmem>>, vector<256x2048xf32>
    %dot_general3A_82 = arith.constant dense<0.000000e+00> : vector<1000x2048xf32>
    %dot_general3A_83 = tpu.matmul %max3A_78, %get3A_81, %dot_general3A_82 {dimension_numbers = #tpu.dot_dimension_numbers<[1], [0], [0], [1], [0, 0, 1, 1], [], []>, transpose_lhs_hint = false} : vector<1000x256xf32>, vector<256x2048xf32>, vector<1000x2048xf32> -> vector<1000x2048xf32>
    %get3A_84 = arith.constant 0 : index
    %get3A_85 = arith.constant 0 : index
    %get3A_86 = vector.load %arg15[%get3A_84, %get3A_85] : memref<1x2048xf32, #tpu.memory_space<vmem>>, vector<1x2048xf32>
    %add3A_87 = vector.broadcast %get3A_86 : vector<1x2048xf32> to vector<1000x2048xf32>
    %add3A_88 = arith.addf %dot_general3A_83, %add3A_87 : vector<1000x2048xf32>
    %convert_element_type3A = arith.truncf %add3A_88 : vector<1000x2048xf32> to vector<1000x2048xbf16>
    %get3A_89 = arith.constant 0 : index
    %get3A_90 = arith.constant 0 : index
    %get3A_91 = vector.load %arg4[%get3A_89, %get3A_90] : memref<1000x128xf32, #tpu.memory_space<vmem>>, vector<1000x128xf32>
    %get3A_92 = arith.constant 0 : index
    %get3A_93 = arith.constant 0 : index
    %get3A_94 = vector.load %arg3[%get3A_92, %get3A_93] : memref<1000x8xf32, #tpu.memory_space<vmem>>, vector<1000x8xf32>
    %get3A_95 = arith.constant 0 : index
    %get3A_96 = arith.constant 0 : index
    %get3A_97 = vector.load %arg17[%get3A_95, %get3A_96] : memref<8x128xf32, #tpu.memory_space<vmem>>, vector<8x128xf32>
    %dot_general3A_98 = arith.constant dense<0.000000e+00> : vector<1000x128xf32>
    %dot_general3A_99 = tpu.matmul %get3A_94, %get3A_97, %dot_general3A_98 {dimension_numbers = #tpu.dot_dimension_numbers<[1], [0], [0], [1], [0, 0, 1, 1], [], []>, transpose_lhs_hint = false} : vector<1000x8xf32>, vector<8x128xf32>, vector<1000x128xf32> -> vector<1000x128xf32>
    %mul3A_100 = arith.mulf %get3A_91, %dot_general3A_99 : vector<1000x128xf32>
    %get3A_101 = arith.constant 0 : index
    %get3A_102 = arith.constant 0 : index
    %get3A_103 = vector.load %arg18[%get3A_101, %get3A_102] : memref<128x2048xf32, #tpu.memory_space<vmem>>, vector<128x2048xf32>
    %dot_general3A_104 = arith.constant dense<0.000000e+00> : vector<1000x2048xf32>
    %dot_general3A_105 = tpu.matmul %mul3A_100, %get3A_103, %dot_general3A_104 {dimension_numbers = #tpu.dot_dimension_numbers<[1], [0], [0], [1], [0, 0, 1, 1], [], []>, transpose_lhs_hint = false} : vector<1000x128xf32>, vector<128x2048xf32>, vector<1000x2048xf32> -> vector<1000x2048xf32>
    %convert_element_type3A_106 = arith.truncf %dot_general3A_105 : vector<1000x2048xf32> to vector<1000x2048xbf16>
    %mul3A_107 = arith.mulf %convert_element_type3A, %convert_element_type3A_106 : vector<1000x2048xbf16>
    %get3A_108 = arith.constant 0 : index
    %get3A_109 = arith.constant 0 : index
    %get3A_110 = vector.load %arg19[%get3A_108, %get3A_109] : memref<2048x128xbf16, #tpu.memory_space<vmem>>, vector<2048x128xbf16>
    %dot_general3A_111 = arith.constant dense<0.000000e+00> : vector<1000x128xf32>
    %dot_general3A_112 = tpu.matmul %mul3A_107, %get3A_110, %dot_general3A_111 {dimension_numbers = #tpu.dot_dimension_numbers<[1], [0], [0], [1], [0, 0, 1, 1], [], []>, transpose_lhs_hint = false} : vector<1000x2048xbf16>, vector<2048x128xbf16>, vector<1000x128xf32> -> vector<1000x128xf32>
    %swap3A = arith.constant 0 : index
    %swap3A_113 = arith.constant 0 : index
    %swap3A_114 = vector.load %arg20[%swap3A, %swap3A_113] : memref<1000x128xf32, #tpu.memory_space<vmem>>, vector<1000x128xf32>
    tpu.vector_store %arg20[%swap3A, %swap3A_113], %dot_general3A_112 {strides = array<i32>} : memref<1000x128xf32, #tpu.memory_space<vmem>>, vector<1000x128xf32>,
    return
  }
  func.func @transform_0(%arg0: i32) -> (i32, i32) {
    %c0_i32 = arith.constant 0 : i32
    %c0_i32_0 = arith.constant 0 : i32
    return %arg0, %c0_i32 : i32, i32
  }
  func.func @transform_1(%arg0: i32) -> (i32, i32) {
    %c0_i32 = arith.constant 0 : i32
    %c0_i32_0 = arith.constant 0 : i32
    return %arg0, %c0_i32 : i32, i32
  }
  func.func @transform_2(%arg0: i32) -> (i32, i32) {
    %c0_i32 = arith.constant 0 : i32
    %c0_i32_0 = arith.constant 0 : i32
    return %arg0, %c0_i32 : i32, i32
  }
  func.func @transform_3(%arg0: i32) -> (i32, i32) {
    %c0_i32 = arith.constant 0 : i32
    %c0_i32_0 = arith.constant 0 : i32
    return %arg0, %c0_i32 : i32, i32
  }
  func.func @transform_4(%arg0: i32) -> (i32, i32) {
    %c0_i32 = arith.constant 0 : i32
    %c0_i32_0 = arith.constant 0 : i32
    %c0_i32_1 = arith.constant 0 : i32
    return %c0_i32, %c0_i32_0 : i32, i32
  }
  func.func @transform_5(%arg0: i32) -> (i32, i32) {
    %c0_i32 = arith.constant 0 : i32
    %c0_i32_0 = arith.constant 0 : i32
    %c0_i32_1 = arith.constant 0 : i32
    return %c0_i32, %c0_i32_0 : i32, i32
  }
  func.func @transform_6(%arg0: i32) -> (i32, i32) {
    %c0_i32 = arith.constant 0 : i32
    %c0_i32_0 = arith.constant 0 : i32
    %c0_i32_1 = arith.constant 0 : i32
    return %c0_i32, %c0_i32_0 : i32, i32
  }
  func.func @transform_7(%arg0: i32) -> (i32, i32) {
    %c0_i32 = arith.constant 0 : i32
    %c0_i32_0 = arith.constant 0 : i32
    %c0_i32_1 = arith.constant 0 : i32
    return %c0_i32, %c0_i32_0 : i32, i32
  }
  func.func @transform_8(%arg0: i32) -> (i32, i32) {
    %c0_i32 = arith.constant 0 : i32
    %c0_i32_0 = arith.constant 0 : i32
    %c0_i32_1 = arith.constant 0 : i32
    return %c0_i32, %c0_i32_0 : i32, i32
  }
  func.func @transform_9(%arg0: i32) -> (i32, i32) {
    %c0_i32 = arith.constant 0 : i32
    %c0_i32_0 = arith.constant 0 : i32
    %c0_i32_1 = arith.constant 0 : i32
    return %c0_i32, %c0_i32_0 : i32, i32
  }
  func.func @transform_10(%arg0: i32) -> (i32, i32) {
    %c0_i32 = arith.constant 0 : i32
    %c0_i32_0 = arith.constant 0 : i32
    %c0_i32_1 = arith.constant 0 : i32
    return %c0_i32, %c0_i32_0 : i32, i32
  }
  func.func @transform_11(%arg0: i32) -> (i32, i32) {
    %c0_i32 = arith.constant 0 : i32
    %c0_i32_0 = arith.constant 0 : i32
    %c0_i32_1 = arith.constant 0 : i32
    return %c0_i32, %c0_i32_0 : i32, i32
  }
  func.func @transform_12(%arg0: i32) -> (i32, i32) {
    %c0_i32 = arith.constant 0 : i32
    %c0_i32_0 = arith.constant 0 : i32
    %c0_i32_1 = arith.constant 0 : i32
    return %c0_i32, %c0_i32_0 : i32, i32
  }
  func.func @transform_13(%arg0: i32) -> (i32, i32) {
    %c0_i32 = arith.constant 0 : i32
    %c0_i32_0 = arith.constant 0 : i32
    %c0_i32_1 = arith.constant 0 : i32
    return %c0_i32, %c0_i32_0 : i32, i32
  }
  func.func @transform_14(%arg0: i32) -> (i32, i32) {
    %c0_i32 = arith.constant 0 : i32
    %c0_i32_0 = arith.constant 0 : i32
    %c0_i32_1 = arith.constant 0 : i32
    return %c0_i32, %c0_i32_0 : i32, i32
  }
  func.func @transform_15(%arg0: i32) -> (i32, i32) {
    %c0_i32 = arith.constant 0 : i32
    %c0_i32_0 = arith.constant 0 : i32
    %c0_i32_1 = arith.constant 0 : i32
    return %c0_i32, %c0_i32_0 : i32, i32
  }
  func.func @transform_16(%arg0: i32) -> (i32, i32) {
    %c0_i32 = arith.constant 0 : i32
    %c0_i32_0 = arith.constant 0 : i32
    %c0_i32_1 = arith.constant 0 : i32
    return %c0_i32, %c0_i32_0 : i32, i32
  }
  func.func @transform_17(%arg0: i32) -> (i32, i32) {
    %c0_i32 = arith.constant 0 : i32
    %c0_i32_0 = arith.constant 0 : i32
    %c0_i32_1 = arith.constant 0 : i32
    return %c0_i32, %c0_i32_0 : i32, i32
  }
  func.func @transform_18(%arg0: i32) -> (i32, i32) {
    %c0_i32 = arith.constant 0 : i32
    %c0_i32_0 = arith.constant 0 : i32
    %c0_i32_1 = arith.constant 0 : i32
    return %c0_i32, %c0_i32_0 : i32, i32
  }
  func.func @transform_19(%arg0: i32) -> (i32, i32) {
    %c0_i32 = arith.constant 0 : i32
    %c0_i32_0 = arith.constant 0 : i32
    return %arg0, %c0_i32 : i32, i32
  }
}

</mosaic_0001>

<sc_bundles>
// kernel: kernel.4.cloned.1.call-start
scs
__scs_entry_jumppad:
0x0: {  	(pc) =	sbr.rel $0x88, $3  }
0x1: {  	(tag) =	ssettag $0x0;
	lr =	simm.s32 $0x1  }
0x2: {  	[smem:$0x3F92] =	sst lr;
	_ =	strace $0xD0000000  }
0x3: {  	_ = 	snop  }
0x4: {  	_ = 	snop  }
0x5: {  	_ = 	snop  }
0x6: {  	_ = 	snop  }
0x7: {  	_ = 	snop  }
__scs_overlays_trampoline_lowered:
0x8: {  	[smem:$0x3FA1] =	sst s0  }
0x9: {  	[smem:$0x3FA2] =	sst s1  }
0xa: {  	[smem:$0x3FA3] =	sst s2  }
0xb: {  	[smem:$0x3FA4] =	sst s3  }
0xc: {  	[smem:$0x3FA5] =	sst s4  }
0xd: {  	[smem:$0x3FA6] =	sst s5  }
0xe: {  	[smem:$0x3FA7] =	sst s6  }
0xf: {  	[smem:$0x3FA8] =	sst s7  }
0x10: {  	[smem:$0x3FA9] =	sst s8  }
0x11: {  	[smem:$0x3FAA] =	sst s9;
	s0 =	simm.s32 @!p0 $0x0  }
0x12: {  	s1 =	sld [smem:$0x3F90];
	s0 =	simm.s32 @p0 $0x1  }
0x13: {  	[smem:$0x3FAB] =	sst s0;
	s0 =	simm.s32 @!p1 $0x0  }
0x14: {  	s2 =	sld [smem:$0x3F8F];
	s0 =	simm.s32 @p1 $0x1  }
0x15: {  	[smem:$0x3FAC] =	sst s0;
	s0 =	simm.s32 @!p2 $0x0  }
0x16: {  	s3 =	sld [smem:$0x3FDB];
	s0 =	simm.s32 @p2 $0x1  }
0x17: {  	s4 =	simm.s32 $0x1BF5;
	[smem:$0x3FAE] =	sst s0  }
0x18: {  	s0 =	sld [smem:$0x3F91];
	_ =	swait.ge [sflag:s4], $0x0  }
0x19: {  	s7 =	sld [smem:$0x3F92]  }
0x1a: {  	s8 =	sadd.s32 $0xFFFFE003, lr  }
0x1b: {  	s9 =	sadd.s32 $0xFFFFFEF7, lr;
	s5 =	simm.s32 $0xFFFFFFFF;
	p2 =	slt.u32 s8, $0xFFFFF086  }
0x1c: {  	p1 =	slt.u32 s9, $0xF7A;
	s5 =	simm.s32 @!p2 $0x0  }
0x1d: {  	s5 =	simm.s32 @p1 $0x1;
	p0 =	seq.s32 s7, s2  }
0x1e: {  	s7 =	smul.u32 @!p0 $0xF7A, s2;
	p2 =	seq.s32 @!p0 s5, $0x0  }
0x1f: {  	s9 =	smul.u32 $0xF7A, s1;
	s8 =	simm.s32 @!p0 $0x1BF5;
	p2 =	por !p2, p0  }
0x20: {  	[sflag:s8] =	ssyncset.s32 @!p0 $0xFFFFF086;
	s6 =	sadd.s32 @!p0 s3, s7;
	s7 =	simm.s32 @!p0 $0x108  }
0x21: {  	s3 =	sadd.s32 s3, s9;
	s6 =	sadd.s32 @!p0 $0x88, s6;
	s7 =	simm.s32 @p2 $0x1082  }
0x22: {  	[simem:s7], [sflag:s8] =	dma.local @!p0 [hbm:s6], $0xF7A  }
0x23: {  	s9 =	sor.u32 $0xD0000000, s2;
	s6 =	simm.s32 $0x108;
	_ =	swait.ge @!p0 [sflag:s8], $0x0  }
0x24: {  	s3 =	sadd.s32 $0x88, s3;
	s6 =	simm.s32 @!p1 $0x1082;
	[sflag:s4] =	ssyncset.s32 $0xFFFFF086  }
0x25: {  	[simem:s6], [sflag:s4] =	dma.local [hbm:s3], $0xF7A  }
0x26: {  	[smem:$0x3F92] =	sst s1;
	(tag) =	ssettag s2;
	_ =	strace s9  }
0x27: {  	s1 =	sld [smem:$0x3FA2]  }
0x28: {  	s2 =	sld [smem:$0x3FA3]  }
0x29: {  	s4 =	sld [smem:$0x3FA5]  }
0x2a: {  	p0 =	seq.s32 s5, $0x0;
	s5 =	sld [smem:$0x3FA6]  }
0x2b: {  	s6 =	sld [smem:$0x3FA7]  }
0x2c: {  	s7 =	sld [smem:$0x3FA8]  }
0x2d: {  	s3 =	simm.s32 $0x108;
	s8 =	sld [smem:$0x3FA9]  }
0x2e: {  	s3 =	simm.s32 @!p0 $0x1082;
	s9 =	sld [smem:$0x3FAA]  }
0x2f: {  	lr =	sadd.s32 s0, s3;
	s0 =	sld [smem:$0x3FA1]  }
0x30: {  	s3 =	sld [smem:$0x3FA4]  }
0x31: {  	[smem:$0x3FAD] =	sst s10  }
0x32: {  	s10 =	sld [smem:$0x3FAB];
	_ =	sdelay $0x3  }
0x33: {  	p0 =	seq.s32 s10, $0x1;
	s10 =	sld [smem:$0x3FAD];
	_ =	sdelay $0x3  }
0x34: {  	[smem:$0x3FAD] =	sst s10  }
0x35: {  	s10 =	sld [smem:$0x3FAC];
	_ =	sdelay $0x3  }
0x36: {  	p1 =	seq.s32 s10, $0x1;
	s10 =	sld [smem:$0x3FAD];
	_ =	sdelay $0x3  }
0x37: {  	[smem:$0x3FAD] =	sst s10  }
0x38: {  	s10 =	sld [smem:$0x3FAE]  }
0x39: {  	_ = 	snop;
	(pc) =	sbr.ind lr, $3  }
0x3a: {  	_ = 	snop  }
0x3b: {  	_ = 	snop  }
0x3c: {  	p2 =	seq.s32 s10, $0x1;
	s10 =	sld [smem:$0x3FAD]  }
0x3d: {  	_ =	shalt  }
0x3e: {  	_ =	shalt  }
0x3f: {  	_ =	shalt  }
0x40: {  	_ =	shalt  }
0x41: {  	_ =	shalt  }
0x42: {  	_ =	shalt  }
0x43: {  	_ =	shalt  }
0x44: {  	_ =	shalt  }
0x45: {  	_ =	shalt  }
0x46: {  	_ =	shalt  }
0x47: {  	_ =	shalt  }
0x48: {  	_ =	shalt  }
0x49: {  	_ =	shalt  }
0x4a: {  	_ =	shalt  }
0x4b: {  	_ =	shalt  }
0x4c: {  	_ =	shalt  }
0x4d: {  	_ =	shalt  }
0x4e: {  	_ =	shalt  }
0x4f: {  	_ =	shalt  }
0x50: {  	_ =	shalt  }
0x51: {  	_ =	shalt  }
0x52: {  	_ =	shalt  }
0x53: {  	_ =	shalt  }
0x54: {  	_ =	shalt  }
0x55: {  	_ =	shalt  }
0x56: {  	_ =	shalt  }
0x57: {  	_ =	shalt  }
0x58: {  	_ =	shalt  }
0x59: {  	_ =	shalt  }
0x5a: {  	_ =	shalt  }
0x5b: {  	_ =	shalt  }
0x5c: {  	_ =	shalt  }
0x5d: {  	_ =	shalt  }
0x5e: {  	_ =	shalt  }
0x5f: {  	_ =	shalt  }
0x60: {  	_ =	shalt  }
0x61: {  	_ =	shalt  }
0x62: {  	_ =	shalt  }
0x63: {  	_ =	shalt  }
0x64: {  	_ =	shalt  }
0x65: {  	_ =	shalt  }
0x66: {  	_ =	shalt  }
0x67: {  	_ =	shalt  }
0x68: {  	_ =	shalt  }
0x69: {  	_ =	shalt  }
0x6a: {  	_ =	shalt  }
0x6b: {  	_ =	shalt  }
0x6c: {  	_ =	shalt  }
0x6d: {  	_ =	shalt  }
0x6e: {  	_ =	shalt  }
0x6f: {  	_ =	shalt  }
0x70: {  	_ =	shalt  }
0x71: {  	_ =	shalt  }
0x72: {  	_ =	shalt  }
0x73: {  	_ =	shalt  }
0x74: {  	_ =	shalt  }
0x75: {  	_ =	shalt  }
0x76: {  	_ =	shalt  }
0x77: {  	_ =	shalt  }
0x78: {  	_ =	shalt  }
0x79: {  	_ =	shalt  }
0x7a: {  	_ =	shalt  }
0x7b: {  	_ =	shalt  }
0x7c: {  	_ =	shalt  }
0x7d: {  	_ =	shalt  }
0x7e: {  	_ =	shalt  }
0x7f: {  	_ =	shalt  }
0x80: {  	_ =	shalt  }
0x81: {  	_ =	shalt  }
0x82: {  	_ =	shalt  }
0x83: {  	_ =	shalt  }
0x84: {  	_ =	shalt  }
0x85: {  	_ =	shalt  }
0x86: {  	_ =	shalt  }
0x87: {  	_ =	shalt  }
.Lfunc_end0:
.L_simem_size_0:
called_computation_lowered:
.L_overlay_start_0:
0x88: {  	s2 =	sld [smem:$0x3FD9]  }
0x89: {  	s3 =	sld [smem:$0x3FFE];
	_ =	sdelay $0x1  }
0x8a: {  	s1 =	srdreg.scid  }
0x8b: {  	s0 =	sand.u32 $0x1, s1  }
0x8c: {  	s16 =	sshll.u32 s0, $0xA;
	s2 =	sadd.s32 s3, s2  }
0x8d: {  	s2 =	sadd.s32 s2, s16  }
0x8e: {  	[smem:$0x3FB9] =	sst s2  }
0x8f: {  	_ = 	snop  }
0x90: {  	(tm) =	ssettm $0x1  }
0x91: {  	s17 =	sld [smem:$0x3FFB];
	_ =	sdelay $0x3  }
0x92: {  	_ =	strace s17  }
0x93: {  	s2 =	sld [smem:$0x3FFC];
	_ =	sdelay $0x3  }
0x94: {  	_ =	strace s2  }
0x95: {  	s2 =	sld [smem:$0x3FFD];
	_ =	sdelay $0x3  }
0x96: {  	_ =	strace s2  }
0x97: {  	_ =	strace $0x8FFFFFFF  }
0x98: {  	s18 =	sld [smem:$0x3FDB];
	_ =	sdelay $0x1  }
0x99: {  	s19 =	simm.s32 $_scs_section_size  }
0x9a: {  	s4 =	simm.s32 $_size__tile_overlayer_lowered;
	s5 =	simm.s32 $_tile_overlayer_lowered  }
0x9b: {  	s22 =	simm.s32 $0x1BFF;
	s21 =	sshll.u32 s5, $0x1;
	s2 =	sadd.s32 s19, s18  }
0x9c: {  	s6 =	simm.s32 $0x0;
	s20 =	sshll.u32 s4, $0x1;
	s4 =	sadd.s32 s21, s2  }
0x9d: {  	[timem:s6], [sflag:s22] =	dma.local [hbm:s4], s20  }
0x9e: {  	_ =	swait.ge [sflag:s22], s20  }
0x9f: {  	s3 =	ssub.s32 $0x0, s20;
	[sflag:s22] =	ssyncset.done $0x0  }
0xa0: {  	[sflag:s22] =	ssyncadd.s32 s3;
	_ =	sdelay $0x1  }
0xa1: {  	s23 =	simm.s32 $0x1B8B  }
0xa2: {  	_ =	swait.ge [sflag:s23], $0x1  }
0xa3: {  	[sflag:s23] =	ssyncset.done $0x0  }
0xa4: {  	s25 =	simm.s32 $0x1B8E;
	s24 =	sld [smem:$0x3FFE];
	[sflag:s23] =	ssyncadd.s32 $0xFFFFFFFF  }
0xa5: {  	s26 =	simm.s32 $execute0_lowered;
	[smem:$0x3FD2] =	sst s25  }
0xa6: {  	s4 =	sshll.u32 s26, $0x1;
	_ =	strace $0x80000046;
	[dreg:$0x1] =	wrdreg $0xFFFFFFFF  }
0xa7: {  	s28 =	simm.s32 $_size_execute0_lowered;
	s2 =	sadd.s32 s2, s4;
	[dreg:$0x0] =	wrdreg $0x0  }
0xa8: {  	s4 =	sshll.u32 s28, $0x1;
	[dreg:$0x2] =	wrdreg s2  }
0xa9: {  	[dreg:$0x3] =	wrdreg s4  }
0xaa: {  	[dreg:$0x4] =	wrdreg $0xC0  }
0xab: {  	_ =	task [dreg:s6], $0x5FFFF  }
0xac: {  	[dreg:$0x1] =	wrdreg $0xFFFFFFFF  }
0xad: {  	[dreg:$0x0] =	wrdreg $0x60  }
0xae: {  	[dreg:$0x2] =	wrdreg s24  }
0xaf: {  	[dreg:$0x3] =	wrdreg $0x9  }
0xb0: {  	_ =	task.clear_ibuf [dreg:s6], $0x4FFFF;
	_ =	strace $0x90000046  }
0xb1: {  	s29 =	simm.s32 $0x9;
	_ =	strace $0x80000048  }
0xb2: {  	_ =	swait.ge [sflag:s29], $0x1  }
0xb3: {  	[sflag:s29] =	ssyncadd.s32 $0xFFFFFFFF  }
0xb4: {  	_ =	strace $0x90000048  }
0xb5: {  	_ =	sfence  }
0xb6: {  	s30 =	sld [smem:$0x0];
	_ =	sdelay $0x2  }
0xb7: {  	s31 =	sshll.u32 s1, $0xD;
	s1 =	sshrl.u32 s1, $0x2  }
0xb8: {  	s3 =	sand.u32 $0x4000, s31;
	s1 =	sadd.s32 s1, s30  }
0xb9: {  	s0 =	sor.u32 s3, s0;
	s1 =	sshll.u32 s1, $0x11  }
0xba: {  	s0 =	sor.u32 s1, s0  }
0xbb: {  	s0 =	sadd.s32 $0x8F2B, s0  }
0xbc: {  	[sflag:s0] =	ssyncadd.remote.s32 $0x1  }
0xbd: {  	_ =	sfence.sel $0xFFFF  }
0xbe: {  	[dreg:$0x0] =	wrdreg $0xFFFFFFFF;
	(pc) =	sbr.abs _section_cstart, $3  }
0xbf: {  	[dreg:$0x1] =	wrdreg $0xFFFFFFFF  }
0xc0: {  	_ =	task.clear_ibuf [dreg:s6], $0x2FFFF;
	_ =	strace $0x9FFFFFFF  }
0xc1: {  	(tm) =	ssettm $0x7FFFFFFF  }
tec
execute0_lowered:
.L_overlay_start_1:
0x0: {  	(tag) =	ssettag $0x1  }
0x1: {  	s1 =	srdreg.scid;
	s0 =	stileid.u32  }
0x2: {  	s6 =	sand.u32 $0x1, s1;
	s30 =	sshll.u32 s0, $0x1  }
0x3: {  	s8 =	rddreg [dreg:$0x0];
	s7 =	sor.u32 s6, s30  }
0x4: {  	s2 =	simm.s32 $0x0;
	s1 =	rddreg [dreg:$0x1];
	s3 =	smul.u32 $0x271, s7  }
0x5: {  	[smem:$0x7FF] =	sst s2;
	s5 =	sadd.s32 $0x2400, s8  }
0x6: {  	_ =	strace $0x80000047;
	s10 =	ssub.s32 $0x2, s6;
	s3 =	sadd.s32 s3, s8  }
0x7: {  	s6 =	simm.s32 $0x1388;
	s4 =	sadd.s32 $0x7400, s3;
	s3 =	simm.s32 $0x2  }
0x8: {  	[tilespmem:s2], [sflag:$0x2] =	stream.linear.gather [hbm4b:s4+s2], $0x1388, $0x38;
	[tilespmem:$0x14C08] =	vst v63  }
0x9: {  	s9 =	smul.u32 $0x2710, s7;
	s11 =	sshrl.u32 s10, $0x1;
	_ =	swait.ge [sflag:s3], $0x1388  }
0xa: {  	s7 =	simm.s32 $0x1;
	s31 =	ssub.s32 s10, s11;
	[sflag:s3] =	ssyncset.done $0x0  }
0xb: {  	s8 =	sadd.s32 s9, s8;
	s9 =	smax.u32 s31, $0x1;
	[sflag:s3] =	ssyncadd.s32 $0xFFFFEC78  }
0xc: {  	[tilespmem:s6], [sflag:$0x1] =	stream.indirect.gather [hbm4b:s5+s6], $0x10, s2, s6, $0xb8;
	[tilespmem:$0x14C08] =	vst v63  }
0xd: {  	p0 =	sne.s32 s9, $0x1;
	_ =	swait.ge [sflag:s7], $0x13880  }
.Ltmp0:
0xe: {  	[sflag:s7] =	ssyncset.done $0x0;
	(pc) =	sbr.rel @!p0 .LBB2_2-.Ltmp0, $4  }
0xf: {  	s8 =	sadd.s32 $0xC400, s8;
	[sflag:s7] =	ssyncadd.s32 $0xFFFEC780  }
0x10: {  	[hbm4b:s8+s2] =	stream.linear.scatter [tilespmem:s6], [sflag:$0x2], $0x13880, $0x38;
	[tilespmem:$0x14C08] =	vst v63  }
0x11: {  	_ =	swait.ge [sflag:s3], $0x13880  }
0x12: {  	s9 =	sadd.s32 $0xFFFFFFFF, s9;
	[sflag:s3] =	ssyncset.done $0x0  }
.LBB2_1:
0x13: {  	p0 =	sne.s32 s9, $0x1;
	s9 =	sadd.s32 $0xFFFFFFFF, s9;
	[sflag:s3] =	ssyncadd.s32 $0xFFFEC780  }
0x14: {  	[tilespmem:s2], [sflag:$0x2] =	stream.linear.gather [hbm4b:s4+s2], $0x1388, $0x38;
	[tilespmem:$0x14C08] =	vst v63  }
0x15: {  	_ =	swait.ge [sflag:s3], $0x1388  }
0x16: {  	[sflag:s3] =	ssyncset.done $0x0  }
0x17: {  	[sflag:s3] =	ssyncadd.s32 $0xFFFFEC78  }
0x18: {  	[tilespmem:s6], [sflag:$0x1] =	stream.indirect.gather [hbm4b:s5+s6], $0x10, s2, s6, $0xb8;
	[tilespmem:$0x14C08] =	vst v63  }
0x19: {  	_ =	swait.ge [sflag:s7], $0x13880  }
.Ltmp1:
0x1a: {  	[sflag:s7] =	ssyncset.done $0x0;
	(pc) =	sbr.rel @p0 .LBB2_1-.Ltmp1, $4  }
0x1b: {  	[sflag:s7] =	ssyncadd.s32 $0xFFFEC780  }
0x1c: {  	[hbm4b:s8+s2] =	stream.linear.scatter [tilespmem:s6], [sflag:$0x2], $0x13880, $0x38;
	[tilespmem:$0x14C08] =	vst v63  }
0x1d: {  	_ =	swait.ge [sflag:s3], $0x13880  }
0x1e: {  	[sflag:s3] =	ssyncset.done $0x0  }
.LBB2_2:
0x1f: {  	[sflag:s3] =	ssyncadd.s32 $0xFFFEC780  }
0x20: {  	_ =	sfence.sel $0x180000  }
0x21: {  	[bflag:$0x0] =	sbarrier.arrive $0xFFFF  }
0x22: {  	p0 =	sne.s32 s0, $0x0;
	_ =	strace $0x90000047  }
0x23: {  	s0 =	sadd.s32 @!p0 $0x100000, s1;
	[bflag:$0x2] =	sbarrier.arrive $0xFFFF  }
0x24: {  	[sflag:s0] =	ssyncadd.tile.s32 @!p0 $0x1;
	_ =	shalt  }
.Lfunc_end2:
_tile_overlayer_lowered:
.L_overlay_start_2:
0x25: {  	(tag) =	ssettag $0x2  }
0x26: {  	s0 =	rddreg [dreg:$0x0];
	s2 =	stileid.u32  }
0x27: {  	s1 =	rddreg [dreg:$0x1];
	p0 =	sne.s32 s2, $0x0  }
0x28: {  	s3 =	rddreg [dreg:$0x2];
	[bflag:$0x3] =	sbarrier.arrive $0xFFFF;
	s2 =	simm.s32 @!p0 $0x1C02  }
0x29: {  	[timem:s3], [sflag:s2] =	dma.local @!p0 [hbm:s0], s1  }
0x2a: {  	s0 =	simm.s32 @!p0 $0x2  }
0x2b: {  	_ =	swait.ge @!p0 [sflag:s0], s1  }
0x2c: {  	s1 =	ssub.s32 @!p0 $0x0, s1;
	[sflag:s0] =	ssyncset.done @!p0 $0x0  }
0x2d: {  	[sflag:s0] =	ssyncadd.s32 @!p0 s1  }
0x2e: {  	[bflag:$0x3] =	sbarrier.arrive $0xFFFF  }
0x2f: {  	_ =	shalt  }

</sc_bundles>
